<compile_context>
chip_gen: v7x
topology: tpu7x:2x2x1
jax: 0.10.2.dev20260603
libtpu: 0.0.44.dev20260713+nightly
codegen_flags: <defaults>
</compile_context>

<pallas_src>
import functools

import jax
import jax.numpy as jnp
from jax import lax
from jax.experimental import pallas as pl
from jax.experimental.pallas import tpu as pltpu
from jax.experimental.pallas import tpu_sc as plsc

N = 100000
IN = 128
HID = 64
K = 3
G = 1024
BN = 2000
SP = 16
NEG = -1e30


def _leaky(v):
    return jnp.where(v > 0, v, 0.01 * v)


def _k1_body(x_ref, b_ref, w1_ref, b1_ref, w2_ref, b2_ref, s_out, m_out):
    step = pl.program_id(0)

    @pl.when(step == 0)
    def _():
        m_out[...] = jnp.full((8, G), NEG, jnp.float32)

    x = x_ref[...]
    h = _leaky(jnp.dot(x, w1_ref[...], preferred_element_type=jnp.float32)
               + b1_ref[...])
    s = jnp.dot(h, w2_ref[...], preferred_element_type=jnp.float32) + b2_ref[...]
    bf = b_ref[...].astype(jnp.float32)
    lane = lax.broadcasted_iota(jnp.int32, (1, SP), 1)
    s_out[...] = jnp.where(lane == K, bf, s)

    seg = lax.broadcasted_iota(jnp.int32, (1, G), 1).astype(jnp.float32)
    oh = bf == seg
    reds = []
    for k in range(K):
        vals = jnp.where(oh, s[:, k:k + 1], NEG)
        reds.append(jnp.max(vals, axis=0, keepdims=True))
    upd = jnp.concatenate(reds + [jnp.full((8 - K, G), NEG, jnp.float32)], axis=0)
    m_out[...] = jnp.maximum(m_out[...], upd)


def _k1(x, batch2d, W1, b1, W2p, b2p):
    grid = N // BN
    return pl.pallas_call(
        _k1_body,
        grid=(grid,),
        in_specs=[
            pl.BlockSpec((BN, IN), lambda i: (i, 0)),
            pl.BlockSpec((BN, 1), lambda i: (i, 0)),
            pl.BlockSpec((IN, HID), lambda i: (0, 0)),
            pl.BlockSpec((1, HID), lambda i: (0, 0)),
            pl.BlockSpec((HID, SP), lambda i: (0, 0)),
            pl.BlockSpec((1, SP), lambda i: (0, 0)),
        ],
        out_specs=[
            pl.BlockSpec((BN, SP), lambda i: (i, 0)),
            pl.BlockSpec((8, G), lambda i: (0, 0)),
        ],
        out_shape=[
            jax.ShapeDtypeStruct((N, SP), jnp.float32),
            jax.ShapeDtypeStruct((8, G), jnp.float32),
        ],
    )(x, batch2d, W1, b1, W2p, b2p)


def _k2_body(s_ref, m_ref, mt_ref, d_out, i_out):
    step = pl.program_id(0)

    @pl.when(step == 0)
    def _():
        d_out[...] = jnp.zeros((G, 8), jnp.float32)
        i_out[...] = jnp.full((8, G), -1, jnp.int32)

    sc = s_ref[...]
    bf = sc[:, K:K + 1]
    seg = lax.broadcasted_iota(jnp.int32, (1, G), 1).astype(jnp.float32)
    oh = bf == seg
    rowid = step * BN + lax.broadcasted_iota(jnp.int32, (BN, 1), 0)

    ohf = oh.astype(jnp.float32)
    es, cs, ired = [], [], []
    for k in range(K):
        sk = sc[:, k:k + 1]
        c = jnp.max(sk)
        es.append(jnp.exp(sk - c))
        cs.append(jnp.broadcast_to(c.reshape(1, 1), (1, 1)))
        cand = jnp.where(oh & (sk == m_ref[k:k + 1, :]), rowid, -1)
        ired.append(jnp.max(cand, axis=0, keepdims=True))
    e8 = jnp.concatenate(es + [jnp.zeros((BN, 8 - K), jnp.float32)], axis=1)
    c8 = jnp.concatenate(cs + [jnp.zeros((1, 8 - K), jnp.float32)], axis=1)
    dupd = lax.dot_general(ohf, e8, (((0,), (0,)), ((), ())),
                           preferred_element_type=jnp.float32)
    mt = mt_ref[...]
    scale = jnp.where(mt > 0.5 * NEG, jnp.exp(c8 - mt), 0.0)
    iupd = jnp.concatenate(ired + [jnp.full((8 - K, G), -1, jnp.int32)], axis=0)
    d_out[...] = d_out[...] + dupd * scale
    i_out[...] = jnp.maximum(i_out[...], iupd)


def _k2(scores16, M, MT):
    grid = N // BN
    return pl.pallas_call(
        _k2_body,
        grid=(grid,),
        in_specs=[
            pl.BlockSpec((BN, SP), lambda i: (i, 0)),
            pl.BlockSpec((8, G), lambda i: (0, 0)),
            pl.BlockSpec((G, 8), lambda i: (0, 0)),
        ],
        out_specs=[
            pl.BlockSpec((G, 8), lambda i: (0, 0)),
            pl.BlockSpec((8, G), lambda i: (0, 0)),
        ],
        out_shape=[
            jax.ShapeDtypeStruct((G, 8), jnp.float32),
            jax.ShapeDtypeStruct((8, G), jnp.int32),
        ],
    )(scores16, M, MT)


def _sc_gather(x, idx):
    info = plsc.get_sparse_core_info()
    nw = info.num_cores * info.num_subcores
    b = K * G
    bpw = b // nw
    mesh = plsc.VectorSubcoreMesh(core_axis_name="c", subcore_axis_name="s")

    @functools.partial(
        pl.kernel, mesh=mesh,
        out_type=jax.ShapeDtypeStruct((b, IN), jnp.float32),
        scratch_types=[
            pltpu.VMEM((bpw,), jnp.int32),
            pltpu.VMEM((bpw, IN), jnp.float32),
            pltpu.SemaphoreType.DMA,
        ],
    )
    def gk(x_hbm, idx_hbm, gx_hbm, idx_v, rows_v, sem):
        wid = lax.axis_index("s") * info.num_cores + lax.axis_index("c")
        base = wid * bpw
        pltpu.sync_copy(idx_hbm.at[pl.ds(base, bpw)], idx_v)
        pltpu.async_copy(x_hbm.at[idx_v], rows_v, sem).wait()
        pltpu.sync_copy(rows_v, gx_hbm.at[pl.ds(base, bpw)])

    return gk(x, idx)


def _k3_body(gx_ref, idxt_ref, srow0_ref, mt_ref, dt_ref, w3_ref, b3_ref,
             o_ref):
    segcol = lax.broadcasted_iota(jnp.int32, (G, 1), 0).astype(jnp.float32)
    b0 = srow0_ref[0, K]
    acc = jnp.zeros((G, IN), jnp.float32)
    for k in range(K):
        empty = idxt_ref[:, k:k + 1] < 0
        wne = 1.0 / (dt_ref[:, k:k + 1] + 1e-16)
        m0 = jnp.sum(jnp.where(segcol == b0, mt_ref[:, k:k + 1], 0.0))
        d0 = jnp.sum(jnp.where(segcol == b0, dt_ref[:, k:k + 1], 0.0))
        w0 = jnp.exp(srow0_ref[0, k] - m0) / (d0 + 1e-16)
        w = jnp.where(empty, w0, wne)
        xk = gx_ref[k * G:(k + 1) * G, :] * w
        acc = acc + jnp.dot(xk, w3_ref[k * IN:(k + 1) * IN, :],
                            preferred_element_type=jnp.float32)
    o_ref[...] = _leaky(acc + b3_ref[...])


def _k3(gx, IDXT, srow0, MT, DT, W3, b3):
    return pl.pallas_call(
        _k3_body,
        out_shape=jax.ShapeDtypeStruct((G, IN), jnp.float32),
    )(gx, IDXT, srow0, MT, DT, W3, b3.reshape(1, IN))


def kernel(x, batch, num_graphs, W1, b1, W2, b2, W3, b3):
    W2p = jnp.zeros((HID, SP), jnp.float32).at[:, :K].set(W2)
    b2p = jnp.zeros((1, SP), jnp.float32).at[0, :K].set(b2)
    batch2d = batch.astype(jnp.int32).reshape(N, 1)

    scores16, M = _k1(x, batch2d, W1, b1.reshape(1, HID), W2p, b2p)
    MT = M.T
    D, IDX = _k2(scores16, M, MT)
    idx = jnp.clip(IDX[:K].reshape(K * G), 0, N - 1).astype(jnp.int32)
    gx = _sc_gather(x, idx)
    out = _k3(gx, IDX.T, scores16[0:1, :], MT, D, W3, b3)
    return out + (jnp.asarray(num_graphs) * 0).astype(out.dtype)

# --- scband reference (transcript-rebuilt; emitter-appended) ---
"""Pipeline reference for scband-ktop-aggregation-72086731096451 (READ-ONLY COPY).

The authoritative reference and input builder live on the scoring server;
editing this copy changes nothing except your own understanding.
"""

import jax, jax.numpy as jnp
import numpy as np

N = 100000
IN = 128
HID = 64
K = 3
G = 1024

def _leaky(v):
    return jnp.where(v > 0, v, 0.01 * v)

def _seg_softmax(s, batch, num_segments):
    m = jax.ops.segment_max(s, batch, num_segments=num_segments)
    m = jnp.where(jnp.isfinite(m), m, 0.0)
    e = jnp.exp(s - m[batch])
    d = jax.ops.segment_sum(e, batch, num_segments=num_segments)
    return e / (d[batch] + 1e-16)

def _forward(x, batch, num_graphs, W1, b1, W2, b2, W3, b3):
    n = x.shape[0]
    ng_static = G
    h = _leaky(x @ W1 + b1)
    scores = h @ W2 + b2  # [N, K], last activation Identity
    ar = jnp.arange(n, dtype=jnp.int32)
    x_list = []
    for kk in range(K):
        sv = _seg_softmax(scores[:, kk], batch, ng_static)
        svd = jax.lax.stop_gradient(sv)  # torch: score.clone().detach() for argmax
        mx = jax.ops.segment_max(svd, batch, num_segments=ng_static)
        mask = svd >= mx[batch]
        cand = jnp.where(mask, ar, -1)
        idx = jax.ops.segment_max(cand, batch, num_segments=ng_static)
        idx = jnp.clip(idx, 0, n - 1)
        x_list.append(x[idx] * sv[idx][:, None])
    xs = jnp.stack(x_list, axis=-2).reshape(ng_static, -1)  # [G, K*IN]
    out = _leaky(xs @ W3 + b3)  # head MLP: Linear + LeakyReLU
    out = out + (jnp.asarray(num_graphs) * 0).astype(out.dtype)
    return out

def setup_inputs(seed: int = 0):
    key = jax.random.key(seed)
    ks = jax.random.split(key, 8)
    x = jax.random.normal(ks[0], (N, IN), dtype=jnp.float32)
    batch = jnp.sort(jax.random.randint(ks[1], (N,), 0, G, dtype=jnp.int32))
    W1 = jax.random.normal(ks[2], (IN, HID), dtype=jnp.float32) * 0.05
    b1 = jnp.zeros((HID,), dtype=jnp.float32)
    W2 = jax.random.normal(ks[3], (HID, K), dtype=jnp.float32) * 0.05
    b2 = jnp.zeros((K,), dtype=jnp.float32)
    W3 = jax.random.normal(ks[4], (IN * K, IN), dtype=jnp.float32) * 0.05
    b3 = jnp.zeros((IN,), dtype=jnp.float32)
    return {"x": x, "batch": batch, "num_graphs": G,
            "W1": W1, "b1": b1, "W2": W2, "b2": b2, "W3": W3, "b3": b3}

def reference(x, batch, num_graphs, W1, b1, W2, b2, W3, b3):
    return _forward(x, batch, num_graphs, W1, b1, W2, b2, W3, b3)

if __name__ == "__main__":
    import jax
    _d = setup_inputs()
    print(jax.jit(kernel)(*tuple(_d.values())))

</pallas_src>

<mosaic_0001>
#map = affine_map<(d0, d1) -> (0, 0)>
#map1 = affine_map<(d0, d1) -> (0)>
module attributes {stable_mosaic.version = 14 : i64} {
  func.func @gk(%arg0: i32, %arg1: i32, %arg2: memref<100000x128xf32, #tpu.memory_space<hbm>>, %arg3: memref<3072xi32, #tpu.memory_space<hbm>>, %arg4: memref<3072x128xf32, #tpu.memory_space<hbm>>, %arg5: memref<96xi32, #tpu.memory_space<vmem>>, %arg6: memref<96x128xf32, #tpu.memory_space<vmem>>, %arg7: memref<!tpu.dma_semaphore, #tpu.memory_space<semaphore_mem>>) attributes {dimension_semantics = [#tpu.dimension_semantics<core_parallel>, #tpu.dimension_semantics<subcore_parallel>], iteration_bounds = array<i64: 2, 16>, scalar_prefetch = 0 : i64, scratch_operands = 3 : i64, tpu.core_type = #tpu.core_type<sc_vector_subcore>, window_params = [{transform_indices = #map}, {transform_indices = #map1}, {transform_indices = #map}]} {
    %mul3A = arith.constant 2 : i32
    %mul3A_0 = arith.muli %arg1, %mul3A : i32
    %add3A = arith.addi %mul3A_0, %arg0 : i32
    %mul3A_1 = arith.constant 96 : i32
    %mul3A_2 = arith.muli %add3A, %mul3A_1 : i32
    "tpu.region"() ({
      %run_scoped3A = tpu.sem_alloc : memref<!tpu.dma_semaphore, #tpu.memory_space<semaphore_mem>>
      %dma_start3A_7 = tpu.memref_slice %arg3[%mul3A_2] : memref<3072xi32, #tpu.memory_space<hbm>> -> memref<96xi32, #tpu.memory_space<hbm>>
      %dma_start3A_8 = tpu.memref_slice %arg3[%mul3A_2] : memref<3072xi32, #tpu.memory_space<hbm>> -> memref<96xi32, #tpu.memory_space<hbm>>
      tpu.enqueue_dma source(%dma_start3A_8 : memref<96xi32, #tpu.memory_space<hbm>>) target(%arg5 : memref<96xi32, #tpu.memory_space<vmem>>) target_semaphore(%run_scoped3A : memref<!tpu.dma_semaphore, #tpu.memory_space<semaphore_mem>>)
      %dma_wait3A_9 = tpu.memref_slice %arg3[%mul3A_2] : memref<3072xi32, #tpu.memory_space<hbm>> -> memref<96xi32, #tpu.memory_space<hbm>>
      %dma_wait3A_10 = tpu.memref_slice %arg3[%mul3A_2] : memref<3072xi32, #tpu.memory_space<hbm>> -> memref<96xi32, #tpu.memory_space<hbm>>
      tpu.wait_dma2 semaphore(%run_scoped3A : memref<!tpu.dma_semaphore, #tpu.memory_space<semaphore_mem>>) src(%dma_wait3A_10 : memref<96xi32, #tpu.memory_space<hbm>>) dst(%arg5 : memref<96xi32, #tpu.memory_space<vmem>>)
      tpu.yield
    }) : () -> ()
    %dma_start3A = arith.constant 0 : i32
    %dma_start3A_3 = arith.constant 0 : i32
    %dma_start3A_4 = tpu.memref_slice %arg2[%dma_start3A, %dma_start3A_3] : memref<100000x128xf32, #tpu.memory_space<hbm>> -> memref<100000x128xf32, #tpu.memory_space<hbm>>
    tpu.enqueue_indirect_dma source(%dma_start3A_4 : memref<100000x128xf32, #tpu.memory_space<hbm>>) target(%arg6 : memref<96x128xf32, #tpu.memory_space<vmem>>) offsets(%arg5 : memref<96xi32, #tpu.memory_space<vmem>>) semaphore(%arg7 : memref<!tpu.dma_semaphore, #tpu.memory_space<semaphore_mem>>)
    %dma_wait3A = arith.constant 0 : i32
    %dma_wait3A_5 = arith.constant 0 : i32
    %dma_wait3A_6 = tpu.memref_slice %arg2[%dma_wait3A, %dma_wait3A_5] : memref<100000x128xf32, #tpu.memory_space<hbm>> -> memref<100000x128xf32, #tpu.memory_space<hbm>>
    tpu.wait_indirect_dma semaphore(%arg7 : memref<!tpu.dma_semaphore, #tpu.memory_space<semaphore_mem>>) src(%dma_wait3A_6 : memref<100000x128xf32, #tpu.memory_space<hbm>>) dst(%arg6 : memref<96x128xf32, #tpu.memory_space<vmem>>)
    "tpu.region"() ({
      %run_scoped3A = tpu.sem_alloc : memref<!tpu.dma_semaphore, #tpu.memory_space<semaphore_mem>>
      %dma_start3A_7 = arith.constant 0 : i32
      %dma_start3A_8 = tpu.memref_slice %arg4[%mul3A_2, %dma_start3A_7] : memref<3072x128xf32, #tpu.memory_space<hbm>> -> memref<96x128xf32, #tpu.memory_space<hbm>>
      %dma_start3A_9 = arith.constant 0 : i32
      %dma_start3A_10 = tpu.memref_slice %arg4[%mul3A_2, %dma_start3A_9] : memref<3072x128xf32, #tpu.memory_space<hbm>> -> memref<96x128xf32, #tpu.memory_space<hbm>>
      tpu.enqueue_dma source(%arg6 : memref<96x128xf32, #tpu.memory_space<vmem>>) target(%dma_start3A_10 : memref<96x128xf32, #tpu.memory_space<hbm>>) target_semaphore(%run_scoped3A : memref<!tpu.dma_semaphore, #tpu.memory_space<semaphore_mem>>)
      %dma_wait3A_11 = arith.constant 0 : i32
      %dma_wait3A_12 = tpu.memref_slice %arg4[%mul3A_2, %dma_wait3A_11] : memref<3072x128xf32, #tpu.memory_space<hbm>> -> memref<96x128xf32, #tpu.memory_space<hbm>>
      %dma_wait3A_13 = arith.constant 0 : i32
      %dma_wait3A_14 = tpu.memref_slice %arg4[%mul3A_2, %dma_wait3A_13] : memref<3072x128xf32, #tpu.memory_space<hbm>> -> memref<96x128xf32, #tpu.memory_space<hbm>>
      tpu.wait_dma2 semaphore(%run_scoped3A : memref<!tpu.dma_semaphore, #tpu.memory_space<semaphore_mem>>) src(%arg6 : memref<96x128xf32, #tpu.memory_space<vmem>>) dst(%dma_wait3A_14 : memref<96x128xf32, #tpu.memory_space<hbm>>)
      tpu.yield
    }) : () -> ()
    return
  }
}

module attributes {stable_mosaic.version = 14 : i64} {
  func.func @_k2_body(%arg0: i32, %arg1: memref<2000x16xf32, #tpu.memory_space<vmem>>, %arg2: memref<8x1024xf32, #tpu.memory_space<vmem>>, %arg3: memref<1024x8xf32, #tpu.memory_space<vmem>>, %arg4: memref<1024x8xf32, #tpu.memory_space<vmem>>, %arg5: memref<8x1024xi32, #tpu.memory_space<vmem>>) attributes {dimension_semantics = [#tpu.dimension_semantics<arbitrary>], iteration_bounds = array<i64: 50>, scalar_prefetch = 0 : i64, scratch_operands = 0 : i64, tpu.core_type = #tpu.core_type<tc>, window_params = [{transform_indices = @transform_0, window_bounds = array<i64: 2000, 16>}, {pipeline_mode = #tpu.pipeline_mode<synchronous>, transform_indices = @transform_1, window_bounds = array<i64: 8, 1024>}, {pipeline_mode = #tpu.pipeline_mode<synchronous>, transform_indices = @transform_2, window_bounds = array<i64: 1024, 8>}, {pipeline_mode = #tpu.pipeline_mode<synchronous>, transform_indices = @transform_3, window_bounds = array<i64: 1024, 8>}, {pipeline_mode = #tpu.pipeline_mode<synchronous>, transform_indices = @transform_4, window_bounds = array<i64: 8, 1024>}]} {
    %eq3A = arith.constant 0 : i32
    %eq3A_0 = arith.cmpi eq, %arg0, %eq3A : i32
    %convert_element_type3A = arith.extui %eq3A_0 : i1 to i32
    %cond3A = arith.constant 0 : i32
    %cond3A_1 = arith.cmpi ne, %convert_element_type3A, %cond3A : i32
    scf.if %cond3A_1 {
      %broadcast_in_dim3A_113 = arith.constant 0.000000e+00 : f32
      %broadcast_in_dim3A_114 = vector.broadcast %broadcast_in_dim3A_113 : f32 to vector<1024x8xf32>
      %swap3A_115 = arith.constant 0 : index
      %swap3A_116 = arith.constant 0 : index
      %swap3A_117 = vector.load %arg4[%swap3A_115, %swap3A_116] : memref<1024x8xf32, #tpu.memory_space<vmem>>, vector<1024x8xf32>
      tpu.vector_store %arg4[%swap3A_115, %swap3A_116], %broadcast_in_dim3A_114 {strides = array<i32>} : memref<1024x8xf32, #tpu.memory_space<vmem>>, vector<1024x8xf32>,
      %broadcast_in_dim3A_118 = arith.constant -1 : i32
      %broadcast_in_dim3A_119 = vector.broadcast %broadcast_in_dim3A_118 : i32 to vector<8x1024xi32>
      %swap3A_120 = arith.constant 0 : index
      %swap3A_121 = arith.constant 0 : index
      %swap3A_122 = vector.load %arg5[%swap3A_120, %swap3A_121] : memref<8x1024xi32, #tpu.memory_space<vmem>>, vector<8x1024xi32>
      tpu.vector_store %arg5[%swap3A_120, %swap3A_121], %broadcast_in_dim3A_119 {strides = array<i32>} : memref<8x1024xi32, #tpu.memory_space<vmem>>, vector<8x1024xi32>,
    } else {
    }
    %get3A = arith.constant 0 : index
    %get3A_2 = arith.constant 0 : index
    %get3A_3 = vector.load %arg1[%get3A, %get3A_2] : memref<2000x16xf32, #tpu.memory_space<vmem>>, vector<2000x16xf32>
    %slice3A = vector.extract_strided_slice %get3A_3 {offsets = [0, 3], sizes = [2000, 1], strides = [1, 1]} : vector<2000x16xf32> to vector<2000x1xf32>
    %iota3A = tpu.iota {dimensions = array<i32: 1>} : vector<1x1024xi32>
    %convert_element_type3A_4 = arith.sitofp %iota3A : vector<1x1024xi32> to vector<1x1024xf32>
    %eq3A_5 = vector.broadcast %slice3A : vector<2000x1xf32> to vector<2000x1024xf32>
    %eq3A_6 = vector.broadcast %convert_element_type3A_4 : vector<1x1024xf32> to vector<2000x1024xf32>
    %eq3A_7 = arith.cmpf oeq, %eq3A_5, %eq3A_6 : vector<2000x1024xf32>
    %mul3A = arith.constant 2000 : i32
    %mul3A_8 = arith.muli %arg0, %mul3A : i32
    %iota3A_9 = tpu.iota {dimensions = array<i32: 0>} : vector<2000x1xi32>
    %add3A = vector.broadcast %mul3A_8 : i32 to vector<2000x1xi32>
    %add3A_10 = arith.addi %add3A, %iota3A_9 : vector<2000x1xi32>
    %convert_element_type3A_11 = arith.extui %eq3A_7 : vector<2000x1024xi1> to vector<2000x1024xi32>
    %convert_element_type3A_12 = arith.sitofp %convert_element_type3A_11 : vector<2000x1024xi32> to vector<2000x1024xf32>
    %slice3A_13 = vector.extract_strided_slice %get3A_3 {offsets = [0, 0], sizes = [2000, 1], strides = [1, 1]} : vector<2000x16xf32> to vector<2000x1xf32>
    %reduce_max3A = vector.shape_cast %slice3A_13 : vector<2000x1xf32> to vector<1x2000x1xf32>
    %reduce_max3A_14 = arith.constant dense<0xFF800000> : vector<1xf32>
    %reduce_max3A_15 = vector.multi_reduction <maximumf>, %reduce_max3A, %reduce_max3A_14 [1, 2] : vector<1x2000x1xf32> to vector<1xf32>
    %reduce_max3A_16 = vector.shape_cast %reduce_max3A_15 : vector<1xf32> to vector<1x1x1xf32>
    %reduce_max3A_17 = vector.extract %reduce_max3A_16[0, 0, 0] : f32 from vector<1x1x1xf32>
    %sub3A = vector.broadcast %reduce_max3A_17 : f32 to vector<2000x1xf32>
    %sub3A_18 = arith.subf %slice3A_13, %sub3A : vector<2000x1xf32>
    %exp3A = math.exp %sub3A_18 : vector<2000x1xf32>
    %reshape3A = vector.broadcast %reduce_max3A_17 : f32 to vector<1x1xf32>
    %get3A_19 = arith.constant 0 : index
    %get3A_20 = arith.constant 0 : index
    %get3A_21 = vector.load %arg2[%get3A_19, %get3A_20] : memref<8x1024xf32, #tpu.memory_space<vmem>>, vector<1x1024xf32>
    %eq3A_22 = vector.broadcast %slice3A_13 : vector<2000x1xf32> to vector<2000x1024xf32>
    %eq3A_23 = vector.broadcast %get3A_21 : vector<1x1024xf32> to vector<2000x1024xf32>
    %eq3A_24 = arith.cmpf oeq, %eq3A_22, %eq3A_23 : vector<2000x1024xf32>
    %and3A = arith.andi %eq3A_7, %eq3A_24 : vector<2000x1024xi1>
    %jit3A = arith.constant -1 : i32
    %broadcast_in_dim3A = vector.shape_cast %add3A_10 : vector<2000x1xi32> to vector<2000x1xi32>
    %broadcast_in_dim3A_25 = vector.broadcast %broadcast_in_dim3A : vector<2000x1xi32> to vector<2000x1024xi32>
    %broadcast_in_dim3A_26 = vector.broadcast %jit3A : i32 to vector<2000x1024xi32>
    %select_n3A = arith.select %and3A, %broadcast_in_dim3A_25, %broadcast_in_dim3A_26 : vector<2000x1024xi1>, vector<2000x1024xi32>
    %reduce_max3A_27 = arith.constant dense<-2147483648> : vector<1024xi32>
    %reduce_max3A_28 = vector.multi_reduction <maxsi>, %select_n3A, %reduce_max3A_27 [0] : vector<2000x1024xi32> to vector<1024xi32>
    %broadcast_in_dim3A_29 = vector.shape_cast %reduce_max3A_28 : vector<1024xi32> to vector<1x1024xi32>
    %slice3A_30 = vector.extract_strided_slice %get3A_3 {offsets = [0, 1], sizes = [2000, 1], strides = [1, 1]} : vector<2000x16xf32> to vector<2000x1xf32>
    %reduce_max3A_31 = vector.shape_cast %slice3A_30 : vector<2000x1xf32> to vector<1x2000x1xf32>
    %reduce_max3A_32 = arith.constant dense<0xFF800000> : vector<1xf32>
    %reduce_max3A_33 = vector.multi_reduction <maximumf>, %reduce_max3A_31, %reduce_max3A_32 [1, 2] : vector<1x2000x1xf32> to vector<1xf32>
    %reduce_max3A_34 = vector.shape_cast %reduce_max3A_33 : vector<1xf32> to vector<1x1x1xf32>
    %reduce_max3A_35 = vector.extract %reduce_max3A_34[0, 0, 0] : f32 from vector<1x1x1xf32>
    %sub3A_36 = vector.broadcast %reduce_max3A_35 : f32 to vector<2000x1xf32>
    %sub3A_37 = arith.subf %slice3A_30, %sub3A_36 : vector<2000x1xf32>
    %exp3A_38 = math.exp %sub3A_37 : vector<2000x1xf32>
    %reshape3A_39 = vector.broadcast %reduce_max3A_35 : f32 to vector<1x1xf32>
    %get3A_40 = arith.constant 1 : index
    %get3A_41 = arith.constant 0 : index
    %get3A_42 = vector.load %arg2[%get3A_40, %get3A_41] : memref<8x1024xf32, #tpu.memory_space<vmem>>, vector<1x1024xf32>
    %eq3A_43 = vector.broadcast %slice3A_30 : vector<2000x1xf32> to vector<2000x1024xf32>
    %eq3A_44 = vector.broadcast %get3A_42 : vector<1x1024xf32> to vector<2000x1024xf32>
    %eq3A_45 = arith.cmpf oeq, %eq3A_43, %eq3A_44 : vector<2000x1024xf32>
    %and3A_46 = arith.andi %eq3A_7, %eq3A_45 : vector<2000x1024xi1>
    %jit3A_47 = arith.constant -1 : i32
    %broadcast_in_dim3A_48 = vector.shape_cast %add3A_10 : vector<2000x1xi32> to vector<2000x1xi32>
    %broadcast_in_dim3A_49 = vector.broadcast %broadcast_in_dim3A_48 : vector<2000x1xi32> to vector<2000x1024xi32>
    %broadcast_in_dim3A_50 = vector.broadcast %jit3A_47 : i32 to vector<2000x1024xi32>
    %select_n3A_51 = arith.select %and3A_46, %broadcast_in_dim3A_49, %broadcast_in_dim3A_50 : vector<2000x1024xi1>, vector<2000x1024xi32>
    %reduce_max3A_52 = arith.constant dense<-2147483648> : vector<1024xi32>
    %reduce_max3A_53 = vector.multi_reduction <maxsi>, %select_n3A_51, %reduce_max3A_52 [0] : vector<2000x1024xi32> to vector<1024xi32>
    %broadcast_in_dim3A_54 = vector.shape_cast %reduce_max3A_53 : vector<1024xi32> to vector<1x1024xi32>
    %slice3A_55 = vector.extract_strided_slice %get3A_3 {offsets = [0, 2], sizes = [2000, 1], strides = [1, 1]} : vector<2000x16xf32> to vector<2000x1xf32>
    %reduce_max3A_56 = vector.shape_cast %slice3A_55 : vector<2000x1xf32> to vector<1x2000x1xf32>
    %reduce_max3A_57 = arith.constant dense<0xFF800000> : vector<1xf32>
    %reduce_max3A_58 = vector.multi_reduction <maximumf>, %reduce_max3A_56, %reduce_max3A_57 [1, 2] : vector<1x2000x1xf32> to vector<1xf32>
    %reduce_max3A_59 = vector.shape_cast %reduce_max3A_58 : vector<1xf32> to vector<1x1x1xf32>
    %reduce_max3A_60 = vector.extract %reduce_max3A_59[0, 0, 0] : f32 from vector<1x1x1xf32>
    %sub3A_61 = vector.broadcast %reduce_max3A_60 : f32 to vector<2000x1xf32>
    %sub3A_62 = arith.subf %slice3A_55, %sub3A_61 : vector<2000x1xf32>
    %exp3A_63 = math.exp %sub3A_62 : vector<2000x1xf32>
    %reshape3A_64 = vector.broadcast %reduce_max3A_60 : f32 to vector<1x1xf32>
    %get3A_65 = arith.constant 2 : index
    %get3A_66 = arith.constant 0 : index
    %get3A_67 = vector.load %arg2[%get3A_65, %get3A_66] : memref<8x1024xf32, #tpu.memory_space<vmem>>, vector<1x1024xf32>
    %eq3A_68 = vector.broadcast %slice3A_55 : vector<2000x1xf32> to vector<2000x1024xf32>
    %eq3A_69 = vector.broadcast %get3A_67 : vector<1x1024xf32> to vector<2000x1024xf32>
    %eq3A_70 = arith.cmpf oeq, %eq3A_68, %eq3A_69 : vector<2000x1024xf32>
    %and3A_71 = arith.andi %eq3A_7, %eq3A_70 : vector<2000x1024xi1>
    %jit3A_72 = arith.constant -1 : i32
    %broadcast_in_dim3A_73 = vector.shape_cast %add3A_10 : vector<2000x1xi32> to vector<2000x1xi32>
    %broadcast_in_dim3A_74 = vector.broadcast %broadcast_in_dim3A_73 : vector<2000x1xi32> to vector<2000x1024xi32>
    %broadcast_in_dim3A_75 = vector.broadcast %jit3A_72 : i32 to vector<2000x1024xi32>
    %select_n3A_76 = arith.select %and3A_71, %broadcast_in_dim3A_74, %broadcast_in_dim3A_75 : vector<2000x1024xi1>, vector<2000x1024xi32>
    %reduce_max3A_77 = arith.constant dense<-2147483648> : vector<1024xi32>
    %reduce_max3A_78 = vector.multi_reduction <maxsi>, %select_n3A_76, %reduce_max3A_77 [0] : vector<2000x1024xi32> to vector<1024xi32>
    %broadcast_in_dim3A_79 = vector.shape_cast %reduce_max3A_78 : vector<1024xi32> to vector<1x1024xi32>
    %broadcast_in_dim3A_80 = arith.constant 0.000000e+00 : f32
    %broadcast_in_dim3A_81 = vector.broadcast %broadcast_in_dim3A_80 : f32 to vector<2000x5xf32>
    %concatenate3A = tpu.concatenate %exp3A, %exp3A_38, %exp3A_63, %broadcast_in_dim3A_81 in 1 : vector<2000x1xf32>, vector<2000x1xf32>, vector<2000x1xf32>, vector<2000x5xf32> -> vector<2000x8xf32>
    %broadcast_in_dim3A_82 = arith.constant 0.000000e+00 : f32
    %broadcast_in_dim3A_83 = vector.broadcast %broadcast_in_dim3A_82 : f32 to vector<1x5xf32>
    %concatenate3A_84 = tpu.concatenate %reshape3A, %reshape3A_39, %reshape3A_64, %broadcast_in_dim3A_83 in 1 : vector<1x1xf32>, vector<1x1xf32>, vector<1x1xf32>, vector<1x5xf32> -> vector<1x8xf32>
    %dot_general3A = arith.constant dense<0.000000e+00> : vector<1024x8xf32>
    %dot_general3A_85 = tpu.matmul %convert_element_type3A_12, %concatenate3A, %dot_general3A {dimension_numbers = #tpu.dot_dimension_numbers<[0], [0], [1], [1], [0, 1, 1, 1], [], []>, transpose_lhs_hint = false} : vector<2000x1024xf32>, vector<2000x8xf32>, vector<1024x8xf32> -> vector<1024x8xf32>
    %get3A_86 = arith.constant 0 : index
    %get3A_87 = arith.constant 0 : index
    %get3A_88 = vector.load %arg3[%get3A_86, %get3A_87] : memref<1024x8xf32, #tpu.memory_space<vmem>>, vector<1024x8xf32>
    %gt3A = arith.constant -5.000000e+29 : f32
    %gt3A_89 = vector.broadcast %gt3A : f32 to vector<1024x8xf32>
    %gt3A_90 = arith.cmpf ogt, %get3A_88, %gt3A_89 : vector<1024x8xf32>
    %sub3A_91 = vector.broadcast %concatenate3A_84 : vector<1x8xf32> to vector<1024x8xf32>
    %sub3A_92 = arith.subf %sub3A_91, %get3A_88 : vector<1024x8xf32>
    %exp3A_93 = math.exp %sub3A_92 : vector<1024x8xf32>
    %jit3A_94 = arith.constant 0.000000e+00 : f32
    %broadcast_in_dim3A_95 = vector.broadcast %jit3A_94 : f32 to vector<1024x8xf32>
    %select_n3A_96 = arith.select %gt3A_90, %exp3A_93, %broadcast_in_dim3A_95 : vector<1024x8xi1>, vector<1024x8xf32>
    %broadcast_in_dim3A_97 = arith.constant -1 : i32
    %broadcast_in_dim3A_98 = vector.broadcast %broadcast_in_dim3A_97 : i32 to vector<5x1024xi32>
    %concatenate3A_99 = tpu.concatenate %broadcast_in_dim3A_29, %broadcast_in_dim3A_54, %broadcast_in_dim3A_79, %broadcast_in_dim3A_98 in 0 : vector<1x1024xi32>, vector<1x1024xi32>, vector<1x1024xi32>, vector<5x1024xi32> -> vector<8x1024xi32>
    %get3A_100 = arith.constant 0 : index
    %get3A_101 = arith.constant 0 : index
    %get3A_102 = vector.load %arg4[%get3A_100, %get3A_101] : memref<1024x8xf32, #tpu.memory_space<vmem>>, vector<1024x8xf32>
    %mul3A_103 = arith.mulf %dot_general3A_85, %select_n3A_96 : vector<1024x8xf32>
    %add3A_104 = arith.addf %get3A_102, %mul3A_103 : vector<1024x8xf32>
    %swap3A = arith.constant 0 : index
    %swap3A_105 = arith.constant 0 : index
    %swap3A_106 = vector.load %arg4[%swap3A, %swap3A_105] : memref<1024x8xf32, #tpu.memory_space<vmem>>, vector<1024x8xf32>
    tpu.vector_store %arg4[%swap3A, %swap3A_105], %add3A_104 {strides = array<i32>} : memref<1024x8xf32, #tpu.memory_space<vmem>>, vector<1024x8xf32>,
    %get3A_107 = arith.constant 0 : index
    %get3A_108 = arith.constant 0 : index
    %get3A_109 = vector.load %arg5[%get3A_107, %get3A_108] : memref<8x1024xi32, #tpu.memory_space<vmem>>, vector<8x1024xi32>
    %max3A = arith.maxsi %get3A_109, %concatenate3A_99 : vector<8x1024xi32>
    %swap3A_110 = arith.constant 0 : index
    %swap3A_111 = arith.constant 0 : index
    %swap3A_112 = vector.load %arg5[%swap3A_110, %swap3A_111] : memref<8x1024xi32, #tpu.memory_space<vmem>>, vector<8x1024xi32>
    tpu.vector_store %arg5[%swap3A_110, %swap3A_111], %max3A {strides = array<i32>} : memref<8x1024xi32, #tpu.memory_space<vmem>>, vector<8x1024xi32>,
    return
  }
  func.func @transform_0(%arg0: i32) -> (i32, i32) {
    %c0_i32 = arith.constant 0 : i32
    %c0_i32_0 = arith.constant 0 : i32
    return %arg0, %c0_i32 : i32, i32
  }
  func.func @transform_1(%arg0: i32) -> (i32, i32) {
    %c0_i32 = arith.constant 0 : i32
    %c0_i32_0 = arith.constant 0 : i32
    %c0_i32_1 = arith.constant 0 : i32
    return %c0_i32, %c0_i32_0 : i32, i32
  }
  func.func @transform_2(%arg0: i32) -> (i32, i32) {
    %c0_i32 = arith.constant 0 : i32
    %c0_i32_0 = arith.constant 0 : i32
    %c0_i32_1 = arith.constant 0 : i32
    return %c0_i32, %c0_i32_0 : i32, i32
  }
  func.func @transform_3(%arg0: i32) -> (i32, i32) {
    %c0_i32 = arith.constant 0 : i32
    %c0_i32_0 = arith.constant 0 : i32
    %c0_i32_1 = arith.constant 0 : i32
    return %c0_i32, %c0_i32_0 : i32, i32
  }
  func.func @transform_4(%arg0: i32) -> (i32, i32) {
    %c0_i32 = arith.constant 0 : i32
    %c0_i32_0 = arith.constant 0 : i32
    %c0_i32_1 = arith.constant 0 : i32
    return %c0_i32, %c0_i32_0 : i32, i32
  }
}

module attributes {stable_mosaic.version = 14 : i64} {
  func.func @_k1_body(%arg0: i32, %arg1: memref<2000x128xf32, #tpu.memory_space<vmem>>, %arg2: memref<2000x1xi32, #tpu.memory_space<vmem>>, %arg3: memref<128x64xf32, #tpu.memory_space<vmem>>, %arg4: memref<1x64xf32, #tpu.memory_space<vmem>>, %arg5: memref<64x16xf32, #tpu.memory_space<vmem>>, %arg6: memref<1x16xf32, #tpu.memory_space<vmem>>, %arg7: memref<2000x16xf32, #tpu.memory_space<vmem>>, %arg8: memref<8x1024xf32, #tpu.memory_space<vmem>>) attributes {dimension_semantics = [#tpu.dimension_semantics<arbitrary>], iteration_bounds = array<i64: 50>, scalar_prefetch = 0 : i64, scratch_operands = 0 : i64, tpu.core_type = #tpu.core_type<tc>, window_params = [{transform_indices = @transform_0, window_bounds = array<i64: 2000, 128>}, {transform_indices = @transform_1, window_bounds = array<i64: 2000, 1>}, {pipeline_mode = #tpu.pipeline_mode<synchronous>, transform_indices = @transform_2, window_bounds = array<i64: 128, 64>}, {pipeline_mode = #tpu.pipeline_mode<synchronous>, transform_indices = @transform_3, window_bounds = array<i64: 1, 64>}, {pipeline_mode = #tpu.pipeline_mode<synchronous>, transform_indices = @transform_4, window_bounds = array<i64: 64, 16>}, {pipeline_mode = #tpu.pipeline_mode<synchronous>, transform_indices = @transform_5, window_bounds = array<i64: 1, 16>}, {transform_indices = @transform_6, window_bounds = array<i64: 2000, 16>}, {pipeline_mode = #tpu.pipeline_mode<synchronous>, transform_indices = @transform_7, window_bounds = array<i64: 8, 1024>}]} {
    %eq3A = arith.constant 0 : i32
    %eq3A_0 = arith.cmpi eq, %arg0, %eq3A : i32
    %convert_element_type3A = arith.extui %eq3A_0 : i1 to i32
    %cond3A = arith.constant 0 : i32
    %cond3A_1 = arith.cmpi ne, %convert_element_type3A, %cond3A : i32
    scf.if %cond3A_1 {
      %broadcast_in_dim3A_76 = arith.constant -1.000000e+30 : f32
      %broadcast_in_dim3A_77 = vector.broadcast %broadcast_in_dim3A_76 : f32 to vector<8x1024xf32>
      %swap3A_78 = arith.constant 0 : index
      %swap3A_79 = arith.constant 0 : index
      %swap3A_80 = vector.load %arg8[%swap3A_78, %swap3A_79] : memref<8x1024xf32, #tpu.memory_space<vmem>>, vector<8x1024xf32>
      tpu.vector_store %arg8[%swap3A_78, %swap3A_79], %broadcast_in_dim3A_77 {strides = array<i32>} : memref<8x1024xf32, #tpu.memory_space<vmem>>, vector<8x1024xf32>,
    } else {
    }
    %get3A = arith.constant 0 : index
    %get3A_2 = arith.constant 0 : index
    %get3A_3 = vector.load %arg1[%get3A, %get3A_2] : memref<2000x128xf32, #tpu.memory_space<vmem>>, vector<2000x128xf32>
    %get3A_4 = arith.constant 0 : index
    %get3A_5 = arith.constant 0 : index
    %get3A_6 = vector.load %arg3[%get3A_4, %get3A_5] : memref<128x64xf32, #tpu.memory_space<vmem>>, vector<128x64xf32>
    %dot_general3A = arith.constant dense<0.000000e+00> : vector<2000x64xf32>
    %dot_general3A_7 = tpu.matmul %get3A_3, %get3A_6, %dot_general3A {dimension_numbers = #tpu.dot_dimension_numbers<[1], [0], [0], [1], [0, 0, 1, 1], [], []>, transpose_lhs_hint = false} : vector<2000x128xf32>, vector<128x64xf32>, vector<2000x64xf32> -> vector<2000x64xf32>
    %get3A_8 = arith.constant 0 : index
    %get3A_9 = arith.constant 0 : index
    %get3A_10 = vector.load %arg4[%get3A_8, %get3A_9] : memref<1x64xf32, #tpu.memory_space<vmem>>, vector<1x64xf32>
    %add3A = vector.broadcast %get3A_10 : vector<1x64xf32> to vector<2000x64xf32>
    %add3A_11 = arith.addf %dot_general3A_7, %add3A : vector<2000x64xf32>
    %gt3A = arith.constant 0.000000e+00 : f32
    %gt3A_12 = vector.broadcast %gt3A : f32 to vector<2000x64xf32>
    %gt3A_13 = arith.cmpf ogt, %add3A_11, %gt3A_12 : vector<2000x64xf32>
    %mul3A = arith.constant 0.00999999977 : f32
    %mul3A_14 = vector.broadcast %mul3A : f32 to vector<2000x64xf32>
    %mul3A_15 = arith.mulf %mul3A_14, %add3A_11 : vector<2000x64xf32>
    %select_n3A = arith.select %gt3A_13, %add3A_11, %mul3A_15 : vector<2000x64xi1>, vector<2000x64xf32>
    %get3A_16 = arith.constant 0 : index
    %get3A_17 = arith.constant 0 : index
    %get3A_18 = vector.load %arg5[%get3A_16, %get3A_17] : memref<64x16xf32, #tpu.memory_space<vmem>>, vector<64x16xf32>
    %dot_general3A_19 = arith.constant dense<0.000000e+00> : vector<2000x16xf32>
    %dot_general3A_20 = tpu.matmul %select_n3A, %get3A_18, %dot_general3A_19 {dimension_numbers = #tpu.dot_dimension_numbers<[1], [0], [0], [1], [0, 0, 1, 1], [], []>, transpose_lhs_hint = false} : vector<2000x64xf32>, vector<64x16xf32>, vector<2000x16xf32> -> vector<2000x16xf32>
    %get3A_21 = arith.constant 0 : index
    %get3A_22 = arith.constant 0 : index
    %get3A_23 = vector.load %arg6[%get3A_21, %get3A_22] : memref<1x16xf32, #tpu.memory_space<vmem>>, vector<1x16xf32>
    %add3A_24 = vector.broadcast %get3A_23 : vector<1x16xf32> to vector<2000x16xf32>
    %add3A_25 = arith.addf %dot_general3A_20, %add3A_24 : vector<2000x16xf32>
    %get3A_26 = arith.constant 0 : index
    %get3A_27 = arith.constant 0 : index
    %get3A_28 = vector.load %arg2[%get3A_26, %get3A_27] : memref<2000x1xi32, #tpu.memory_space<vmem>>, vector<2000x1xi32>
    %convert_element_type3A_29 = arith.sitofp %get3A_28 : vector<2000x1xi32> to vector<2000x1xf32>
    %iota3A = tpu.iota {dimensions = array<i32: 1>} : vector<1x16xi32>
    %eq3A_30 = arith.constant 3 : i32
    %eq3A_31 = vector.broadcast %eq3A_30 : i32 to vector<1x16xi32>
    %eq3A_32 = arith.cmpi eq, %iota3A, %eq3A_31 : vector<1x16xi32>
    %broadcast_in_dim3A = vector.shape_cast %eq3A_32 : vector<1x16xi1> to vector<1x16xi1>
    %broadcast_in_dim3A_33 = vector.broadcast %broadcast_in_dim3A : vector<1x16xi1> to vector<2000x16xi1>
    %broadcast_in_dim3A_34 = vector.shape_cast %convert_element_type3A_29 : vector<2000x1xf32> to vector<2000x1xf32>
    %broadcast_in_dim3A_35 = vector.broadcast %broadcast_in_dim3A_34 : vector<2000x1xf32> to vector<2000x16xf32>
    %select_n3A_36 = arith.select %broadcast_in_dim3A_33, %broadcast_in_dim3A_35, %add3A_25 : vector<2000x16xi1>, vector<2000x16xf32>
    %swap3A = arith.constant 0 : index
    %swap3A_37 = arith.constant 0 : index
    %swap3A_38 = vector.load %arg7[%swap3A, %swap3A_37] : memref<2000x16xf32, #tpu.memory_space<vmem>>, vector<2000x16xf32>
    tpu.vector_store %arg7[%swap3A, %swap3A_37], %select_n3A_36 {strides = array<i32>} : memref<2000x16xf32, #tpu.memory_space<vmem>>, vector<2000x16xf32>,
    %iota3A_39 = tpu.iota {dimensions = array<i32: 1>} : vector<1x1024xi32>
    %convert_element_type3A_40 = arith.sitofp %iota3A_39 : vector<1x1024xi32> to vector<1x1024xf32>
    %eq3A_41 = vector.broadcast %convert_element_type3A_29 : vector<2000x1xf32> to vector<2000x1024xf32>
    %eq3A_42 = vector.broadcast %convert_element_type3A_40 : vector<1x1024xf32> to vector<2000x1024xf32>
    %eq3A_43 = arith.cmpf oeq, %eq3A_41, %eq3A_42 : vector<2000x1024xf32>
    %slice3A = vector.extract_strided_slice %add3A_25 {offsets = [0, 0], sizes = [2000, 1], strides = [1, 1]} : vector<2000x16xf32> to vector<2000x1xf32>
    %jit3A = arith.constant -1.000000e+30 : f32
    %broadcast_in_dim3A_44 = vector.shape_cast %slice3A : vector<2000x1xf32> to vector<2000x1xf32>
    %broadcast_in_dim3A_45 = vector.broadcast %broadcast_in_dim3A_44 : vector<2000x1xf32> to vector<2000x1024xf32>
    %broadcast_in_dim3A_46 = vector.broadcast %jit3A : f32 to vector<2000x1024xf32>
    %select_n3A_47 = arith.select %eq3A_43, %broadcast_in_dim3A_45, %broadcast_in_dim3A_46 : vector<2000x1024xi1>, vector<2000x1024xf32>
    %reduce_max3A = arith.constant dense<0xFF800000> : vector<1024xf32>
    %reduce_max3A_48 = vector.multi_reduction <maximumf>, %select_n3A_47, %reduce_max3A [0] : vector<2000x1024xf32> to vector<1024xf32>
    %broadcast_in_dim3A_49 = vector.shape_cast %reduce_max3A_48 : vector<1024xf32> to vector<1x1024xf32>
    %slice3A_50 = vector.extract_strided_slice %add3A_25 {offsets = [0, 1], sizes = [2000, 1], strides = [1, 1]} : vector<2000x16xf32> to vector<2000x1xf32>
    %jit3A_51 = arith.constant -1.000000e+30 : f32
    %broadcast_in_dim3A_52 = vector.shape_cast %slice3A_50 : vector<2000x1xf32> to vector<2000x1xf32>
    %broadcast_in_dim3A_53 = vector.broadcast %broadcast_in_dim3A_52 : vector<2000x1xf32> to vector<2000x1024xf32>
    %broadcast_in_dim3A_54 = vector.broadcast %jit3A_51 : f32 to vector<2000x1024xf32>
    %select_n3A_55 = arith.select %eq3A_43, %broadcast_in_dim3A_53, %broadcast_in_dim3A_54 : vector<2000x1024xi1>, vector<2000x1024xf32>
    %reduce_max3A_56 = arith.constant dense<0xFF800000> : vector<1024xf32>
    %reduce_max3A_57 = vector.multi_reduction <maximumf>, %select_n3A_55, %reduce_max3A_56 [0] : vector<2000x1024xf32> to vector<1024xf32>
    %broadcast_in_dim3A_58 = vector.shape_cast %reduce_max3A_57 : vector<1024xf32> to vector<1x1024xf32>
    %slice3A_59 = vector.extract_strided_slice %add3A_25 {offsets = [0, 2], sizes = [2000, 1], strides = [1, 1]} : vector<2000x16xf32> to vector<2000x1xf32>
    %jit3A_60 = arith.constant -1.000000e+30 : f32
    %broadcast_in_dim3A_61 = vector.shape_cast %slice3A_59 : vector<2000x1xf32> to vector<2000x1xf32>
    %broadcast_in_dim3A_62 = vector.broadcast %broadcast_in_dim3A_61 : vector<2000x1xf32> to vector<2000x1024xf32>
    %broadcast_in_dim3A_63 = vector.broadcast %jit3A_60 : f32 to vector<2000x1024xf32>
    %select_n3A_64 = arith.select %eq3A_43, %broadcast_in_dim3A_62, %broadcast_in_dim3A_63 : vector<2000x1024xi1>, vector<2000x1024xf32>
    %reduce_max3A_65 = arith.constant dense<0xFF800000> : vector<1024xf32>
    %reduce_max3A_66 = vector.multi_reduction <maximumf>, %select_n3A_64, %reduce_max3A_65 [0] : vector<2000x1024xf32> to vector<1024xf32>
    %broadcast_in_dim3A_67 = vector.shape_cast %reduce_max3A_66 : vector<1024xf32> to vector<1x1024xf32>
    %broadcast_in_dim3A_68 = arith.constant -1.000000e+30 : f32
    %broadcast_in_dim3A_69 = vector.broadcast %broadcast_in_dim3A_68 : f32 to vector<5x1024xf32>
    %concatenate3A = tpu.concatenate %broadcast_in_dim3A_49, %broadcast_in_dim3A_58, %broadcast_in_dim3A_67, %broadcast_in_dim3A_69 in 0 : vector<1x1024xf32>, vector<1x1024xf32>, vector<1x1024xf32>, vector<5x1024xf32> -> vector<8x1024xf32>
    %get3A_70 = arith.constant 0 : index
    %get3A_71 = arith.constant 0 : index
    %get3A_72 = vector.load %arg8[%get3A_70, %get3A_71] : memref<8x1024xf32, #tpu.memory_space<vmem>>, vector<8x1024xf32>
    %max3A = arith.maximumf %get3A_72, %concatenate3A : vector<8x1024xf32>
    %swap3A_73 = arith.constant 0 : index
    %swap3A_74 = arith.constant 0 : index
    %swap3A_75 = vector.load %arg8[%swap3A_73, %swap3A_74] : memref<8x1024xf32, #tpu.memory_space<vmem>>, vector<8x1024xf32>
    tpu.vector_store %arg8[%swap3A_73, %swap3A_74], %max3A {strides = array<i32>} : memref<8x1024xf32, #tpu.memory_space<vmem>>, vector<8x1024xf32>,
    return
  }
  func.func @transform_0(%arg0: i32) -> (i32, i32) {
    %c0_i32 = arith.constant 0 : i32
    %c0_i32_0 = arith.constant 0 : i32
    return %arg0, %c0_i32 : i32, i32
  }
  func.func @transform_1(%arg0: i32) -> (i32, i32) {
    %c0_i32 = arith.constant 0 : i32
    %c0_i32_0 = arith.constant 0 : i32
    return %arg0, %c0_i32 : i32, i32
  }
  func.func @transform_2(%arg0: i32) -> (i32, i32) {
    %c0_i32 = arith.constant 0 : i32
    %c0_i32_0 = arith.constant 0 : i32
    %c0_i32_1 = arith.constant 0 : i32
    return %c0_i32, %c0_i32_0 : i32, i32
  }
  func.func @transform_3(%arg0: i32) -> (i32, i32) {
    %c0_i32 = arith.constant 0 : i32
    %c0_i32_0 = arith.constant 0 : i32
    %c0_i32_1 = arith.constant 0 : i32
    return %c0_i32, %c0_i32_0 : i32, i32
  }
  func.func @transform_4(%arg0: i32) -> (i32, i32) {
    %c0_i32 = arith.constant 0 : i32
    %c0_i32_0 = arith.constant 0 : i32
    %c0_i32_1 = arith.constant 0 : i32
    return %c0_i32, %c0_i32_0 : i32, i32
  }
  func.func @transform_5(%arg0: i32) -> (i32, i32) {
    %c0_i32 = arith.constant 0 : i32
    %c0_i32_0 = arith.constant 0 : i32
    %c0_i32_1 = arith.constant 0 : i32
    return %c0_i32, %c0_i32_0 : i32, i32
  }
  func.func @transform_6(%arg0: i32) -> (i32, i32) {
    %c0_i32 = arith.constant 0 : i32
    %c0_i32_0 = arith.constant 0 : i32
    return %arg0, %c0_i32 : i32, i32
  }
  func.func @transform_7(%arg0: i32) -> (i32, i32) {
    %c0_i32 = arith.constant 0 : i32
    %c0_i32_0 = arith.constant 0 : i32
    %c0_i32_1 = arith.constant 0 : i32
    return %c0_i32, %c0_i32_0 : i32, i32
  }
}

module attributes {stable_mosaic.version = 14 : i64} {
  func.func @_k3_body(%arg0: memref<3072x128xf32, #tpu.memory_space<vmem>>, %arg1: memref<1024x8xi32, #tpu.memory_space<vmem>>, %arg2: memref<1x16xf32, #tpu.memory_space<vmem>>, %arg3: memref<1024x8xf32, #tpu.memory_space<vmem>>, %arg4: memref<1024x8xf32, #tpu.memory_space<vmem>>, %arg5: memref<384x128xf32, #tpu.memory_space<vmem>>, %arg6: memref<1x128xf32, #tpu.memory_space<vmem>>, %arg7: memref<1024x128xf32, #tpu.memory_space<vmem>>) attributes {dimension_semantics = [], scalar_prefetch = 0 : i64, scratch_operands = 0 : i64, tpu.core_type = #tpu.core_type<tc>} {
    %iota3A = tpu.iota {dimensions = array<i32: 0>} : vector<1024x1xi32>
    %convert_element_type3A = arith.sitofp %iota3A : vector<1024x1xi32> to vector<1024x1xf32>
    %get3A = arith.constant 0 : index
    %get3A_0 = arith.constant 3 : index
    %get3A_1 = vector.load %arg2[%get3A, %get3A_0] : memref<1x16xf32, #tpu.memory_space<vmem>>, vector<1x1xf32>
    %get3A_2 = vector.extract %get3A_1[0, 0] : f32 from vector<1x1xf32>
    %broadcast_in_dim3A = arith.constant 0.000000e+00 : f32
    %broadcast_in_dim3A_3 = vector.broadcast %broadcast_in_dim3A : f32 to vector<1024x128xf32>
    %get3A_4 = arith.constant 0 : index
    %get3A_5 = arith.constant 0 : index
    %get3A_6 = vector.load %arg1[%get3A_4, %get3A_5] : memref<1024x8xi32, #tpu.memory_space<vmem>>, vector<1024x1xi32>
    %lt3A = arith.constant 0 : i32
    %lt3A_7 = vector.broadcast %lt3A : i32 to vector<1024x1xi32>
    %lt3A_8 = arith.cmpi slt, %get3A_6, %lt3A_7 : vector<1024x1xi32>
    %get3A_9 = arith.constant 0 : index
    %get3A_10 = arith.constant 0 : index
    %get3A_11 = vector.load %arg4[%get3A_9, %get3A_10] : memref<1024x8xf32, #tpu.memory_space<vmem>>, vector<1024x1xf32>
    %add3A = arith.constant 1.000000e-16 : f32
    %add3A_12 = vector.broadcast %add3A : f32 to vector<1024x1xf32>
    %add3A_13 = arith.addf %get3A_11, %add3A_12 : vector<1024x1xf32>
    %div3A = arith.constant 1.000000e+00 : f32
    %div3A_14 = vector.broadcast %div3A : f32 to vector<1024x1xf32>
    %div3A_15 = arith.divf %div3A_14, %add3A_13 : vector<1024x1xf32>
    %eq3A = vector.broadcast %get3A_2 : f32 to vector<1024x1xf32>
    %eq3A_16 = arith.cmpf oeq, %convert_element_type3A, %eq3A : vector<1024x1xf32>
    %get3A_17 = arith.constant 0 : index
    %get3A_18 = arith.constant 0 : index
    %get3A_19 = vector.load %arg3[%get3A_17, %get3A_18] : memref<1024x8xf32, #tpu.memory_space<vmem>>, vector<1024x1xf32>
    %jit3A = arith.constant 0.000000e+00 : f32
    %broadcast_in_dim3A_20 = vector.broadcast %jit3A : f32 to vector<1024x1xf32>
    %select_n3A = arith.select %eq3A_16, %get3A_19, %broadcast_in_dim3A_20 : vector<1024x1xi1>, vector<1024x1xf32>
    %reduce_sum3A = vector.shape_cast %select_n3A : vector<1024x1xf32> to vector<1x1024x1xf32>
    %reduce_sum3A_21 = arith.constant dense<0.000000e+00> : vector<1xf32>
    %reduce_sum3A_22 = vector.multi_reduction <add>, %reduce_sum3A, %reduce_sum3A_21 [1, 2] : vector<1x1024x1xf32> to vector<1xf32>
    %reduce_sum3A_23 = vector.shape_cast %reduce_sum3A_22 : vector<1xf32> to vector<1x1x1xf32>
    %reduce_sum3A_24 = vector.extract %reduce_sum3A_23[0, 0, 0] : f32 from vector<1x1x1xf32>
    %eq3A_25 = vector.broadcast %get3A_2 : f32 to vector<1024x1xf32>
    %eq3A_26 = arith.cmpf oeq, %convert_element_type3A, %eq3A_25 : vector<1024x1xf32>
    %get3A_27 = arith.constant 0 : index
    %get3A_28 = arith.constant 0 : index
    %get3A_29 = vector.load %arg4[%get3A_27, %get3A_28] : memref<1024x8xf32, #tpu.memory_space<vmem>>, vector<1024x1xf32>
    %jit3A_30 = arith.constant 0.000000e+00 : f32
    %broadcast_in_dim3A_31 = vector.broadcast %jit3A_30 : f32 to vector<1024x1xf32>
    %select_n3A_32 = arith.select %eq3A_26, %get3A_29, %broadcast_in_dim3A_31 : vector<1024x1xi1>, vector<1024x1xf32>
    %reduce_sum3A_33 = vector.shape_cast %select_n3A_32 : vector<1024x1xf32> to vector<1x1024x1xf32>
    %reduce_sum3A_34 = arith.constant dense<0.000000e+00> : vector<1xf32>
    %reduce_sum3A_35 = vector.multi_reduction <add>, %reduce_sum3A_33, %reduce_sum3A_34 [1, 2] : vector<1x1024x1xf32> to vector<1xf32>
    %reduce_sum3A_36 = vector.shape_cast %reduce_sum3A_35 : vector<1xf32> to vector<1x1x1xf32>
    %reduce_sum3A_37 = vector.extract %reduce_sum3A_36[0, 0, 0] : f32 from vector<1x1x1xf32>
    %get3A_38 = arith.constant 0 : index
    %get3A_39 = arith.constant 0 : index
    %get3A_40 = vector.load %arg2[%get3A_38, %get3A_39] : memref<1x16xf32, #tpu.memory_space<vmem>>, vector<1x1xf32>
    %get3A_41 = vector.extract %get3A_40[0, 0] : f32 from vector<1x1xf32>
    %sub3A = arith.subf %get3A_41, %reduce_sum3A_24 : f32
    %exp3A = math.exp %sub3A : f32
    %add3A_42 = arith.constant 1.000000e-16 : f32
    %add3A_43 = arith.addf %reduce_sum3A_37, %add3A_42 : f32
    %div3A_44 = arith.divf %exp3A, %add3A_43 : f32
    %broadcast_in_dim3A_45 = vector.broadcast %div3A_44 : f32 to vector<1024x1xf32>
    %select_n3A_46 = arith.select %lt3A_8, %broadcast_in_dim3A_45, %div3A_15 : vector<1024x1xi1>, vector<1024x1xf32>
    %get3A_47 = arith.constant 0 : index
    %get3A_48 = arith.constant 0 : index
    %get3A_49 = vector.load %arg0[%get3A_47, %get3A_48] : memref<3072x128xf32, #tpu.memory_space<vmem>>, vector<1024x128xf32>
    %mul3A = vector.broadcast %select_n3A_46 : vector<1024x1xf32> to vector<1024x128xf32>
    %mul3A_50 = arith.mulf %get3A_49, %mul3A : vector<1024x128xf32>
    %get3A_51 = arith.constant 0 : index
    %get3A_52 = arith.constant 0 : index
    %get3A_53 = vector.load %arg5[%get3A_51, %get3A_52] : memref<384x128xf32, #tpu.memory_space<vmem>>, vector<128x128xf32>
    %dot_general3A = arith.constant dense<0.000000e+00> : vector<1024x128xf32>
    %dot_general3A_54 = tpu.matmul %mul3A_50, %get3A_53, %dot_general3A {dimension_numbers = #tpu.dot_dimension_numbers<[1], [0], [0], [1], [0, 0, 1, 1], [], []>, transpose_lhs_hint = false} : vector<1024x128xf32>, vector<128x128xf32>, vector<1024x128xf32> -> vector<1024x128xf32>
    %add3A_55 = arith.addf %broadcast_in_dim3A_3, %dot_general3A_54 : vector<1024x128xf32>
    %get3A_56 = arith.constant 0 : index
    %get3A_57 = arith.constant 1 : index
    %get3A_58 = vector.load %arg1[%get3A_56, %get3A_57] : memref<1024x8xi32, #tpu.memory_space<vmem>>, vector<1024x1xi32>
    %lt3A_59 = arith.constant 0 : i32
    %lt3A_60 = vector.broadcast %lt3A_59 : i32 to vector<1024x1xi32>
    %lt3A_61 = arith.cmpi slt, %get3A_58, %lt3A_60 : vector<1024x1xi32>
    %get3A_62 = arith.constant 0 : index
    %get3A_63 = arith.constant 1 : index
    %get3A_64 = vector.load %arg4[%get3A_62, %get3A_63] : memref<1024x8xf32, #tpu.memory_space<vmem>>, vector<1024x1xf32>
    %add3A_65 = arith.constant 1.000000e-16 : f32
    %add3A_66 = vector.broadcast %add3A_65 : f32 to vector<1024x1xf32>
    %add3A_67 = arith.addf %get3A_64, %add3A_66 : vector<1024x1xf32>
    %div3A_68 = arith.constant 1.000000e+00 : f32
    %div3A_69 = vector.broadcast %div3A_68 : f32 to vector<1024x1xf32>
    %div3A_70 = arith.divf %div3A_69, %add3A_67 : vector<1024x1xf32>
    %eq3A_71 = vector.broadcast %get3A_2 : f32 to vector<1024x1xf32>
    %eq3A_72 = arith.cmpf oeq, %convert_element_type3A, %eq3A_71 : vector<1024x1xf32>
    %get3A_73 = arith.constant 0 : index
    %get3A_74 = arith.constant 1 : index
    %get3A_75 = vector.load %arg3[%get3A_73, %get3A_74] : memref<1024x8xf32, #tpu.memory_space<vmem>>, vector<1024x1xf32>
    %jit3A_76 = arith.constant 0.000000e+00 : f32
    %broadcast_in_dim3A_77 = vector.broadcast %jit3A_76 : f32 to vector<1024x1xf32>
    %select_n3A_78 = arith.select %eq3A_72, %get3A_75, %broadcast_in_dim3A_77 : vector<1024x1xi1>, vector<1024x1xf32>
    %reduce_sum3A_79 = vector.shape_cast %select_n3A_78 : vector<1024x1xf32> to vector<1x1024x1xf32>
    %reduce_sum3A_80 = arith.constant dense<0.000000e+00> : vector<1xf32>
    %reduce_sum3A_81 = vector.multi_reduction <add>, %reduce_sum3A_79, %reduce_sum3A_80 [1, 2] : vector<1x1024x1xf32> to vector<1xf32>
    %reduce_sum3A_82 = vector.shape_cast %reduce_sum3A_81 : vector<1xf32> to vector<1x1x1xf32>
    %reduce_sum3A_83 = vector.extract %reduce_sum3A_82[0, 0, 0] : f32 from vector<1x1x1xf32>
    %eq3A_84 = vector.broadcast %get3A_2 : f32 to vector<1024x1xf32>
    %eq3A_85 = arith.cmpf oeq, %convert_element_type3A, %eq3A_84 : vector<1024x1xf32>
    %get3A_86 = arith.constant 0 : index
    %get3A_87 = arith.constant 1 : index
    %get3A_88 = vector.load %arg4[%get3A_86, %get3A_87] : memref<1024x8xf32, #tpu.memory_space<vmem>>, vector<1024x1xf32>
    %jit3A_89 = arith.constant 0.000000e+00 : f32
    %broadcast_in_dim3A_90 = vector.broadcast %jit3A_89 : f32 to vector<1024x1xf32>
    %select_n3A_91 = arith.select %eq3A_85, %get3A_88, %broadcast_in_dim3A_90 : vector<1024x1xi1>, vector<1024x1xf32>
    %reduce_sum3A_92 = vector.shape_cast %select_n3A_91 : vector<1024x1xf32> to vector<1x1024x1xf32>
    %reduce_sum3A_93 = arith.constant dense<0.000000e+00> : vector<1xf32>
    %reduce_sum3A_94 = vector.multi_reduction <add>, %reduce_sum3A_92, %reduce_sum3A_93 [1, 2] : vector<1x1024x1xf32> to vector<1xf32>
    %reduce_sum3A_95 = vector.shape_cast %reduce_sum3A_94 : vector<1xf32> to vector<1x1x1xf32>
    %reduce_sum3A_96 = vector.extract %reduce_sum3A_95[0, 0, 0] : f32 from vector<1x1x1xf32>
    %get3A_97 = arith.constant 0 : index
    %get3A_98 = arith.constant 1 : index
    %get3A_99 = vector.load %arg2[%get3A_97, %get3A_98] : memref<1x16xf32, #tpu.memory_space<vmem>>, vector<1x1xf32>
    %get3A_100 = vector.extract %get3A_99[0, 0] : f32 from vector<1x1xf32>
    %sub3A_101 = arith.subf %get3A_100, %reduce_sum3A_83 : f32
    %exp3A_102 = math.exp %sub3A_101 : f32
    %add3A_103 = arith.constant 1.000000e-16 : f32
    %add3A_104 = arith.addf %reduce_sum3A_96, %add3A_103 : f32
    %div3A_105 = arith.divf %exp3A_102, %add3A_104 : f32
    %broadcast_in_dim3A_106 = vector.broadcast %div3A_105 : f32 to vector<1024x1xf32>
    %select_n3A_107 = arith.select %lt3A_61, %broadcast_in_dim3A_106, %div3A_70 : vector<1024x1xi1>, vector<1024x1xf32>
    %get3A_108 = arith.constant 1024 : index
    %get3A_109 = arith.constant 0 : index
    %get3A_110 = vector.load %arg0[%get3A_108, %get3A_109] : memref<3072x128xf32, #tpu.memory_space<vmem>>, vector<1024x128xf32>
    %mul3A_111 = vector.broadcast %select_n3A_107 : vector<1024x1xf32> to vector<1024x128xf32>
    %mul3A_112 = arith.mulf %get3A_110, %mul3A_111 : vector<1024x128xf32>
    %get3A_113 = arith.constant 128 : index
    %get3A_114 = arith.constant 0 : index
    %get3A_115 = vector.load %arg5[%get3A_113, %get3A_114] : memref<384x128xf32, #tpu.memory_space<vmem>>, vector<128x128xf32>
    %dot_general3A_116 = arith.constant dense<0.000000e+00> : vector<1024x128xf32>
    %dot_general3A_117 = tpu.matmul %mul3A_112, %get3A_115, %dot_general3A_116 {dimension_numbers = #tpu.dot_dimension_numbers<[1], [0], [0], [1], [0, 0, 1, 1], [], []>, transpose_lhs_hint = false} : vector<1024x128xf32>, vector<128x128xf32>, vector<1024x128xf32> -> vector<1024x128xf32>
    %add3A_118 = arith.addf %add3A_55, %dot_general3A_117 : vector<1024x128xf32>
    %get3A_119 = arith.constant 0 : index
    %get3A_120 = arith.constant 2 : index
    %get3A_121 = vector.load %arg1[%get3A_119, %get3A_120] : memref<1024x8xi32, #tpu.memory_space<vmem>>, vector<1024x1xi32>
    %lt3A_122 = arith.constant 0 : i32
    %lt3A_123 = vector.broadcast %lt3A_122 : i32 to vector<1024x1xi32>
    %lt3A_124 = arith.cmpi slt, %get3A_121, %lt3A_123 : vector<1024x1xi32>
    %get3A_125 = arith.constant 0 : index
    %get3A_126 = arith.constant 2 : index
    %get3A_127 = vector.load %arg4[%get3A_125, %get3A_126] : memref<1024x8xf32, #tpu.memory_space<vmem>>, vector<1024x1xf32>
    %add3A_128 = arith.constant 1.000000e-16 : f32
    %add3A_129 = vector.broadcast %add3A_128 : f32 to vector<1024x1xf32>
    %add3A_130 = arith.addf %get3A_127, %add3A_129 : vector<1024x1xf32>
    %div3A_131 = arith.constant 1.000000e+00 : f32
    %div3A_132 = vector.broadcast %div3A_131 : f32 to vector<1024x1xf32>
    %div3A_133 = arith.divf %div3A_132, %add3A_130 : vector<1024x1xf32>
    %eq3A_134 = vector.broadcast %get3A_2 : f32 to vector<1024x1xf32>
    %eq3A_135 = arith.cmpf oeq, %convert_element_type3A, %eq3A_134 : vector<1024x1xf32>
    %get3A_136 = arith.constant 0 : index
    %get3A_137 = arith.constant 2 : index
    %get3A_138 = vector.load %arg3[%get3A_136, %get3A_137] : memref<1024x8xf32, #tpu.memory_space<vmem>>, vector<1024x1xf32>
    %jit3A_139 = arith.constant 0.000000e+00 : f32
    %broadcast_in_dim3A_140 = vector.broadcast %jit3A_139 : f32 to vector<1024x1xf32>
    %select_n3A_141 = arith.select %eq3A_135, %get3A_138, %broadcast_in_dim3A_140 : vector<1024x1xi1>, vector<1024x1xf32>
    %reduce_sum3A_142 = vector.shape_cast %select_n3A_141 : vector<1024x1xf32> to vector<1x1024x1xf32>
    %reduce_sum3A_143 = arith.constant dense<0.000000e+00> : vector<1xf32>
    %reduce_sum3A_144 = vector.multi_reduction <add>, %reduce_sum3A_142, %reduce_sum3A_143 [1, 2] : vector<1x1024x1xf32> to vector<1xf32>
    %reduce_sum3A_145 = vector.shape_cast %reduce_sum3A_144 : vector<1xf32> to vector<1x1x1xf32>
    %reduce_sum3A_146 = vector.extract %reduce_sum3A_145[0, 0, 0] : f32 from vector<1x1x1xf32>
    %eq3A_147 = vector.broadcast %get3A_2 : f32 to vector<1024x1xf32>
    %eq3A_148 = arith.cmpf oeq, %convert_element_type3A, %eq3A_147 : vector<1024x1xf32>
    %get3A_149 = arith.constant 0 : index
    %get3A_150 = arith.constant 2 : index
    %get3A_151 = vector.load %arg4[%get3A_149, %get3A_150] : memref<1024x8xf32, #tpu.memory_space<vmem>>, vector<1024x1xf32>
    %jit3A_152 = arith.constant 0.000000e+00 : f32
    %broadcast_in_dim3A_153 = vector.broadcast %jit3A_152 : f32 to vector<1024x1xf32>
    %select_n3A_154 = arith.select %eq3A_148, %get3A_151, %broadcast_in_dim3A_153 : vector<1024x1xi1>, vector<1024x1xf32>
    %reduce_sum3A_155 = vector.shape_cast %select_n3A_154 : vector<1024x1xf32> to vector<1x1024x1xf32>
    %reduce_sum3A_156 = arith.constant dense<0.000000e+00> : vector<1xf32>
    %reduce_sum3A_157 = vector.multi_reduction <add>, %reduce_sum3A_155, %reduce_sum3A_156 [1, 2] : vector<1x1024x1xf32> to vector<1xf32>
    %reduce_sum3A_158 = vector.shape_cast %reduce_sum3A_157 : vector<1xf32> to vector<1x1x1xf32>
    %reduce_sum3A_159 = vector.extract %reduce_sum3A_158[0, 0, 0] : f32 from vector<1x1x1xf32>
    %get3A_160 = arith.constant 0 : index
    %get3A_161 = arith.constant 2 : index
    %get3A_162 = vector.load %arg2[%get3A_160, %get3A_161] : memref<1x16xf32, #tpu.memory_space<vmem>>, vector<1x1xf32>
    %get3A_163 = vector.extract %get3A_162[0, 0] : f32 from vector<1x1xf32>
    %sub3A_164 = arith.subf %get3A_163, %reduce_sum3A_146 : f32
    %exp3A_165 = math.exp %sub3A_164 : f32
    %add3A_166 = arith.constant 1.000000e-16 : f32
    %add3A_167 = arith.addf %reduce_sum3A_159, %add3A_166 : f32
    %div3A_168 = arith.divf %exp3A_165, %add3A_167 : f32
    %broadcast_in_dim3A_169 = vector.broadcast %div3A_168 : f32 to vector<1024x1xf32>
    %select_n3A_170 = arith.select %lt3A_124, %broadcast_in_dim3A_169, %div3A_133 : vector<1024x1xi1>, vector<1024x1xf32>
    %get3A_171 = arith.constant 2048 : index
    %get3A_172 = arith.constant 0 : index
    %get3A_173 = vector.load %arg0[%get3A_171, %get3A_172] : memref<3072x128xf32, #tpu.memory_space<vmem>>, vector<1024x128xf32>
    %mul3A_174 = vector.broadcast %select_n3A_170 : vector<1024x1xf32> to vector<1024x128xf32>
    %mul3A_175 = arith.mulf %get3A_173, %mul3A_174 : vector<1024x128xf32>
    %get3A_176 = arith.constant 256 : index
    %get3A_177 = arith.constant 0 : index
    %get3A_178 = vector.load %arg5[%get3A_176, %get3A_177] : memref<384x128xf32, #tpu.memory_space<vmem>>, vector<128x128xf32>
    %dot_general3A_179 = arith.constant dense<0.000000e+00> : vector<1024x128xf32>
    %dot_general3A_180 = tpu.matmul %mul3A_175, %get3A_178, %dot_general3A_179 {dimension_numbers = #tpu.dot_dimension_numbers<[1], [0], [0], [1], [0, 0, 1, 1], [], []>, transpose_lhs_hint = false} : vector<1024x128xf32>, vector<128x128xf32>, vector<1024x128xf32> -> vector<1024x128xf32>
    %add3A_181 = arith.addf %add3A_118, %dot_general3A_180 : vector<1024x128xf32>
    %get3A_182 = arith.constant 0 : index
    %get3A_183 = arith.constant 0 : index
    %get3A_184 = vector.load %arg6[%get3A_182, %get3A_183] : memref<1x128xf32, #tpu.memory_space<vmem>>, vector<1x128xf32>
    %add3A_185 = vector.broadcast %get3A_184 : vector<1x128xf32> to vector<1024x128xf32>
    %add3A_186 = arith.addf %add3A_181, %add3A_185 : vector<1024x128xf32>
    %gt3A = arith.constant 0.000000e+00 : f32
    %gt3A_187 = vector.broadcast %gt3A : f32 to vector<1024x128xf32>
    %gt3A_188 = arith.cmpf ogt, %add3A_186, %gt3A_187 : vector<1024x128xf32>
    %mul3A_189 = arith.constant 0.00999999977 : f32
    %mul3A_190 = vector.broadcast %mul3A_189 : f32 to vector<1024x128xf32>
    %mul3A_191 = arith.mulf %mul3A_190, %add3A_186 : vector<1024x128xf32>
    %select_n3A_192 = arith.select %gt3A_188, %add3A_186, %mul3A_191 : vector<1024x128xi1>, vector<1024x128xf32>
    %swap3A = arith.constant 0 : index
    %swap3A_193 = arith.constant 0 : index
    %swap3A_194 = vector.load %arg7[%swap3A, %swap3A_193] : memref<1024x128xf32, #tpu.memory_space<vmem>>, vector<1024x128xf32>
    tpu.vector_store %arg7[%swap3A, %swap3A_193], %select_n3A_192 {strides = array<i32>} : memref<1024x128xf32, #tpu.memory_space<vmem>>, vector<1024x128xf32>,
    return
  }
}

</mosaic_0001>

<sc_bundles>
// kernel: kernel.6.cloned.1.call-start
scs
__scs_entry_jumppad:
0x0: {  	(pc) =	sbr.rel $0x88, $3  }
0x1: {  	(tag) =	ssettag $0x0;
	lr =	simm.s32 $0x1  }
0x2: {  	[smem:$0x3F98] =	sst lr;
	_ =	strace $0xD0000000  }
0x3: {  	_ = 	snop  }
0x4: {  	_ = 	snop  }
0x5: {  	_ = 	snop  }
0x6: {  	_ = 	snop  }
0x7: {  	_ = 	snop  }
__scs_overlays_trampoline_lowered:
0x8: {  	[smem:$0x3FA7] =	sst s0  }
0x9: {  	[smem:$0x3FA8] =	sst s1  }
0xa: {  	[smem:$0x3FA9] =	sst s2  }
0xb: {  	[smem:$0x3FAA] =	sst s3  }
0xc: {  	[smem:$0x3FAB] =	sst s4  }
0xd: {  	[smem:$0x3FAC] =	sst s5  }
0xe: {  	[smem:$0x3FAD] =	sst s6  }
0xf: {  	[smem:$0x3FAE] =	sst s7  }
0x10: {  	[smem:$0x3FAF] =	sst s8  }
0x11: {  	[smem:$0x3FB0] =	sst s9;
	s0 =	simm.s32 @!p0 $0x0  }
0x12: {  	s1 =	sld [smem:$0x3F96];
	s0 =	simm.s32 @p0 $0x1  }
0x13: {  	[smem:$0x3FB1] =	sst s0;
	s0 =	simm.s32 @!p1 $0x0  }
0x14: {  	s2 =	sld [smem:$0x3F95];
	s0 =	simm.s32 @p1 $0x1  }
0x15: {  	[smem:$0x3FB2] =	sst s0;
	s0 =	simm.s32 @!p2 $0x0  }
0x16: {  	s3 =	sld [smem:$0x3FDB];
	s0 =	simm.s32 @p2 $0x1  }
0x17: {  	s4 =	simm.s32 $0x1BF5;
	[smem:$0x3FB4] =	sst s0  }
0x18: {  	s0 =	sld [smem:$0x3F97];
	_ =	swait.ge [sflag:s4], $0x0  }
0x19: {  	s7 =	sld [smem:$0x3F98]  }
0x1a: {  	s8 =	sadd.s32 $0xFFFFE003, lr  }
0x1b: {  	s9 =	sadd.s32 $0xFFFFFEF7, lr;
	s5 =	simm.s32 $0xFFFFFFFF;
	p2 =	slt.u32 s8, $0xFFFFF086  }
0x1c: {  	p1 =	slt.u32 s9, $0xF7A;
	s5 =	simm.s32 @!p2 $0x0  }
0x1d: {  	s5 =	simm.s32 @p1 $0x1;
	p0 =	seq.s32 s7, s2  }
0x1e: {  	s7 =	smul.u32 @!p0 $0xF7A, s2;
	p2 =	seq.s32 @!p0 s5, $0x0  }
0x1f: {  	s9 =	smul.u32 $0xF7A, s1;
	s8 =	simm.s32 @!p0 $0x1BF5;
	p2 =	por !p2, p0  }
0x20: {  	[sflag:s8] =	ssyncset.s32 @!p0 $0xFFFFF086;
	s6 =	sadd.s32 @!p0 s3, s7;
	s7 =	simm.s32 @!p0 $0x108  }
0x21: {  	s3 =	sadd.s32 s3, s9;
	s6 =	sadd.s32 @!p0 $0x88, s6;
	s7 =	simm.s32 @p2 $0x1082  }
0x22: {  	[simem:s7], [sflag:s8] =	dma.local @!p0 [hbm:s6], $0xF7A  }
0x23: {  	s9 =	sor.u32 $0xD0000000, s2;
	s6 =	simm.s32 $0x108;
	_ =	swait.ge @!p0 [sflag:s8], $0x0  }
0x24: {  	s3 =	sadd.s32 $0x88, s3;
	s6 =	simm.s32 @!p1 $0x1082;
	[sflag:s4] =	ssyncset.s32 $0xFFFFF086  }
0x25: {  	[simem:s6], [sflag:s4] =	dma.local [hbm:s3], $0xF7A  }
0x26: {  	[smem:$0x3F98] =	sst s1;
	(tag) =	ssettag s2;
	_ =	strace s9  }
0x27: {  	s1 =	sld [smem:$0x3FA8]  }
0x28: {  	s2 =	sld [smem:$0x3FA9]  }
0x29: {  	s4 =	sld [smem:$0x3FAB]  }
0x2a: {  	p0 =	seq.s32 s5, $0x0;
	s5 =	sld [smem:$0x3FAC]  }
0x2b: {  	s6 =	sld [smem:$0x3FAD]  }
0x2c: {  	s7 =	sld [smem:$0x3FAE]  }
0x2d: {  	s3 =	simm.s32 $0x108;
	s8 =	sld [smem:$0x3FAF]  }
0x2e: {  	s3 =	simm.s32 @!p0 $0x1082;
	s9 =	sld [smem:$0x3FB0]  }
0x2f: {  	lr =	sadd.s32 s0, s3;
	s0 =	sld [smem:$0x3FA7]  }
0x30: {  	s3 =	sld [smem:$0x3FAA]  }
0x31: {  	[smem:$0x3FB3] =	sst s10  }
0x32: {  	s10 =	sld [smem:$0x3FB1];
	_ =	sdelay $0x3  }
0x33: {  	p0 =	seq.s32 s10, $0x1;
	s10 =	sld [smem:$0x3FB3];
	_ =	sdelay $0x3  }
0x34: {  	[smem:$0x3FB3] =	sst s10  }
0x35: {  	s10 =	sld [smem:$0x3FB2];
	_ =	sdelay $0x3  }
0x36: {  	p1 =	seq.s32 s10, $0x1;
	s10 =	sld [smem:$0x3FB3];
	_ =	sdelay $0x3  }
0x37: {  	[smem:$0x3FB3] =	sst s10  }
0x38: {  	s10 =	sld [smem:$0x3FB4]  }
0x39: {  	_ = 	snop;
	(pc) =	sbr.ind lr, $3  }
0x3a: {  	_ = 	snop  }
0x3b: {  	_ = 	snop  }
0x3c: {  	p2 =	seq.s32 s10, $0x1;
	s10 =	sld [smem:$0x3FB3]  }
0x3d: {  	_ =	shalt  }
0x3e: {  	_ =	shalt  }
0x3f: {  	_ =	shalt  }
0x40: {  	_ =	shalt  }
0x41: {  	_ =	shalt  }
0x42: {  	_ =	shalt  }
0x43: {  	_ =	shalt  }
0x44: {  	_ =	shalt  }
0x45: {  	_ =	shalt  }
0x46: {  	_ =	shalt  }
0x47: {  	_ =	shalt  }
0x48: {  	_ =	shalt  }
0x49: {  	_ =	shalt  }
0x4a: {  	_ =	shalt  }
0x4b: {  	_ =	shalt  }
0x4c: {  	_ =	shalt  }
0x4d: {  	_ =	shalt  }
0x4e: {  	_ =	shalt  }
0x4f: {  	_ =	shalt  }
0x50: {  	_ =	shalt  }
0x51: {  	_ =	shalt  }
0x52: {  	_ =	shalt  }
0x53: {  	_ =	shalt  }
0x54: {  	_ =	shalt  }
0x55: {  	_ =	shalt  }
0x56: {  	_ =	shalt  }
0x57: {  	_ =	shalt  }
0x58: {  	_ =	shalt  }
0x59: {  	_ =	shalt  }
0x5a: {  	_ =	shalt  }
0x5b: {  	_ =	shalt  }
0x5c: {  	_ =	shalt  }
0x5d: {  	_ =	shalt  }
0x5e: {  	_ =	shalt  }
0x5f: {  	_ =	shalt  }
0x60: {  	_ =	shalt  }
0x61: {  	_ =	shalt  }
0x62: {  	_ =	shalt  }
0x63: {  	_ =	shalt  }
0x64: {  	_ =	shalt  }
0x65: {  	_ =	shalt  }
0x66: {  	_ =	shalt  }
0x67: {  	_ =	shalt  }
0x68: {  	_ =	shalt  }
0x69: {  	_ =	shalt  }
0x6a: {  	_ =	shalt  }
0x6b: {  	_ =	shalt  }
0x6c: {  	_ =	shalt  }
0x6d: {  	_ =	shalt  }
0x6e: {  	_ =	shalt  }
0x6f: {  	_ =	shalt  }
0x70: {  	_ =	shalt  }
0x71: {  	_ =	shalt  }
0x72: {  	_ =	shalt  }
0x73: {  	_ =	shalt  }
0x74: {  	_ =	shalt  }
0x75: {  	_ =	shalt  }
0x76: {  	_ =	shalt  }
0x77: {  	_ =	shalt  }
0x78: {  	_ =	shalt  }
0x79: {  	_ =	shalt  }
0x7a: {  	_ =	shalt  }
0x7b: {  	_ =	shalt  }
0x7c: {  	_ =	shalt  }
0x7d: {  	_ =	shalt  }
0x7e: {  	_ =	shalt  }
0x7f: {  	_ =	shalt  }
0x80: {  	_ =	shalt  }
0x81: {  	_ =	shalt  }
0x82: {  	_ =	shalt  }
0x83: {  	_ =	shalt  }
0x84: {  	_ =	shalt  }
0x85: {  	_ =	shalt  }
0x86: {  	_ =	shalt  }
0x87: {  	_ =	shalt  }
.Lfunc_end0:
.L_simem_size_0:
called_computation_lowered:
.L_overlay_start_0:
0x88: {  	s2 =	sld [smem:$0x3FD9]  }
0x89: {  	s3 =	sld [smem:$0x3FFE];
	_ =	sdelay $0x1  }
0x8a: {  	s1 =	srdreg.scid  }
0x8b: {  	s0 =	sand.u32 $0x1, s1  }
0x8c: {  	s17 =	sshll.u32 s0, $0xA;
	s2 =	sadd.s32 s3, s2  }
0x8d: {  	s2 =	sadd.s32 s2, s17  }
0x8e: {  	[smem:$0x3FBF] =	sst s2  }
0x8f: {  	_ = 	snop  }
0x90: {  	s2 =	sld [smem:$0x3FC9]  }
0x91: {  	s18 =	sld [smem:$0x3FD0];
	(tm) =	ssettm $0x1  }
0x92: {  	s4 =	sld [smem:$0x3FFB];
	_ =	sdelay $0x3  }
0x93: {  	_ =	strace s4  }
0x94: {  	s4 =	sld [smem:$0x3FFC];
	_ =	sdelay $0x3  }
0x95: {  	_ =	strace s4  }
0x96: {  	s4 =	sld [smem:$0x3FFD];
	_ =	sdelay $0x3  }
0x97: {  	_ =	strace s4  }
0x98: {  	_ =	strace $0x8FFFFFFF  }
0x99: {  	s19 =	sld [smem:$0x3FDB];
	_ =	sdelay $0x1  }
0x9a: {  	s5 =	simm.s32 $_scs_section_size  }
0x9b: {  	s6 =	simm.s32 $_size__tile_overlayer_lowered;
	s7 =	simm.s32 $_tile_overlayer_lowered  }
0x9c: {  	s22 =	simm.s32 $0x1BFF;
	s21 =	sshll.u32 s7, $0x1;
	s4 =	sadd.s32 s5, s19  }
0x9d: {  	s8 =	simm.s32 $0x0;
	s20 =	sshll.u32 s6, $0x1;
	s6 =	sadd.s32 s21, s4  }
0x9e: {  	[timem:s8], [sflag:s22] =	dma.local [hbm:s6], s20  }
0x9f: {  	_ =	swait.ge [sflag:s22], s20  }
0xa0: {  	s5 =	ssub.s32 $0x0, s20;
	[sflag:s22] =	ssyncset.done $0x0  }
0xa1: {  	[sflag:s22] =	ssyncadd.s32 s5;
	_ =	sdelay $0x1  }
0xa2: {  	s23 =	simm.s32 $0x1B8B  }
0xa3: {  	_ =	swait.ge [sflag:s23], $0x1  }
0xa4: {  	[sflag:s23] =	ssyncset.done $0x0  }
0xa5: {  	s25 =	simm.s32 $0x1B8E;
	s24 =	sld [smem:$0x3FFE];
	[sflag:s23] =	ssyncadd.s32 $0xFFFFFFFF  }
0xa6: {  	s26 =	simm.s32 $execute0_lowered;
	[smem:$0x3FD2] =	sst s25  }
0xa7: {  	s6 =	sshll.u32 s26, $0x1;
	_ =	strace $0x80000046;
	[dreg:$0x1] =	wrdreg $0xFFFFFFFF  }
0xa8: {  	s28 =	simm.s32 $_size_execute0_lowered;
	s4 =	sadd.s32 s4, s6;
	[dreg:$0x0] =	wrdreg $0x0  }
0xa9: {  	s6 =	sshll.u32 s28, $0x1;
	[dreg:$0x2] =	wrdreg s4  }
0xaa: {  	[dreg:$0x3] =	wrdreg s6  }
0xab: {  	[dreg:$0x4] =	wrdreg $0xC0  }
0xac: {  	_ =	task [dreg:s8], $0x5FFFF  }
0xad: {  	[dreg:$0x1] =	wrdreg $0xFFFFFFFF  }
0xae: {  	[dreg:$0x0] =	wrdreg $0x60  }
0xaf: {  	[dreg:$0x2] =	wrdreg s2  }
0xb0: {  	[dreg:$0x3] =	wrdreg s18  }
0xb1: {  	[dreg:$0x4] =	wrdreg s24  }
0xb2: {  	[dreg:$0x5] =	wrdreg $0x9  }
0xb3: {  	_ =	task.clear_ibuf [dreg:s8], $0x6FFFF;
	_ =	strace $0x90000046  }
0xb4: {  	s29 =	simm.s32 $0x9;
	_ =	strace $0x80000048  }
0xb5: {  	_ =	swait.ge [sflag:s29], $0x1  }
0xb6: {  	[sflag:s29] =	ssyncadd.s32 $0xFFFFFFFF  }
0xb7: {  	_ =	strace $0x90000048  }
0xb8: {  	_ =	sfence  }
0xb9: {  	s30 =	sld [smem:$0x0];
	_ =	sdelay $0x2  }
0xba: {  	s31 =	sshll.u32 s1, $0xD;
	s1 =	sshrl.u32 s1, $0x2  }
0xbb: {  	s3 =	sand.u32 $0x4000, s31;
	s1 =	sadd.s32 s1, s30  }
0xbc: {  	s0 =	sor.u32 s3, s0;
	s1 =	sshll.u32 s1, $0x11  }
0xbd: {  	s0 =	sor.u32 s1, s0  }
0xbe: {  	s0 =	sadd.s32 $0x8F2B, s0  }
0xbf: {  	[sflag:s0] =	ssyncadd.remote.s32 $0x1  }
0xc0: {  	_ =	sfence.sel $0xFFFF  }
0xc1: {  	[dreg:$0x0] =	wrdreg $0xFFFFFFFF;
	(pc) =	sbr.abs _section_cstart, $3  }
0xc2: {  	[dreg:$0x1] =	wrdreg $0xFFFFFFFF  }
0xc3: {  	_ =	task.clear_ibuf [dreg:s8], $0x2FFFF;
	_ =	strace $0x9FFFFFFF  }
0xc4: {  	(tm) =	ssettm $0x7FFFFFFF  }
0xc5: {  	_ =	shalt  }
tec
execute0_lowered:
.L_overlay_start_1:
0x0: {  	(tag) =	ssettag $0x1  }
0x1: {  	s1 =	rddreg [dreg:$0x0]  }
0x2: {  	s2 =	srdreg.scid;
	s0 =	stileid.u32  }
0x3: {  	s4 =	rddreg [dreg:$0x1];
	s6 =	sand.u32 $0x1, s2;
	s30 =	sshll.u32 s0, $0x1  }
0x4: {  	s9 =	rddreg [dreg:$0x2];
	s3 =	simm.s32 $0x0;
	s7 =	sor.u32 s6, s30  }
0x5: {  	s8 =	simm.s32 $0x1;
	[smem:$0x7FF] =	sst s3;
	s5 =	smul.u32 $0xC, s7  }
0x6: {  	s2 =	rddreg [dreg:$0x3];
	_ =	strace $0x80000047;
	s11 =	ssub.s32 $0x2, s6  }
0x7: {  	s6 =	simm.s32 $0x60;
	s5 =	sadd.s32 s4, s5;
	s4 =	simm.s32 $0x2  }
0x8: {  	[tilespmem:s3], [sflag:$0x2] =	stream.linear.gather [hbm4b:s5+s3], $0x60, $0x38;
	[tilespmem:$0x3080] =	vst v63  }
0x9: {  	s10 =	smul.u32 $0x600, s7;
	s12 =	sshrl.u32 s11, $0x1;
	_ =	swait.ge [sflag:s4], $0x60  }
0xa: {  	s7 =	simm.s32 $0x80;
	s31 =	ssub.s32 s11, s12;
	[sflag:s4] =	ssyncset.done $0x0  }
0xb: {  	s9 =	sadd.s32 s10, s9;
	s10 =	smax.u32 s31, $0x1;
	[sflag:s4] =	ssyncadd.s32 $0xFFFFFFA0  }
0xc: {  	[tilespmem:s7], [sflag:$0x1] =	stream.indirect.gather [hbm4b:s1+s6], $0x80, s3, s6, $0xb8;
	[tilespmem:$0x3080] =	vst v63  }
0xd: {  	p0 =	sne.s32 s10, $0x1;
	_ =	swait.ge [sflag:s8], $0x3000  }
.Ltmp0:
0xe: {  	[sflag:s8] =	ssyncset.done $0x0;
	(pc) =	sbr.rel @!p0 .LBB2_2-.Ltmp0, $4  }
0xf: {  	s9 =	sadd.s32 $0xC00, s9;
	[sflag:s8] =	ssyncadd.s32 $0xFFFFD000  }
0x10: {  	[hbm4b:s9+s3] =	stream.linear.scatter [tilespmem:s7], [sflag:$0x2], $0x3000, $0x38;
	[tilespmem:$0x3080] =	vst v63  }
0x11: {  	_ =	swait.ge [sflag:s4], $0x3000  }
0x12: {  	s10 =	sadd.s32 $0xFFFFFFFF, s10;
	[sflag:s4] =	ssyncset.done $0x0  }
.LBB2_1:
0x13: {  	p0 =	sne.s32 s10, $0x1;
	s10 =	sadd.s32 $0xFFFFFFFF, s10;
	[sflag:s4] =	ssyncadd.s32 $0xFFFFD000  }
0x14: {  	[tilespmem:s3], [sflag:$0x2] =	stream.linear.gather [hbm4b:s5+s3], $0x60, $0x38;
	[tilespmem:$0x3080] =	vst v63  }
0x15: {  	_ =	swait.ge [sflag:s4], $0x60  }
0x16: {  	[sflag:s4] =	ssyncset.done $0x0  }
0x17: {  	[sflag:s4] =	ssyncadd.s32 $0xFFFFFFA0  }
0x18: {  	[tilespmem:s7], [sflag:$0x1] =	stream.indirect.gather [hbm4b:s1+s6], $0x80, s3, s6, $0xb8;
	[tilespmem:$0x3080] =	vst v63  }
0x19: {  	_ =	swait.ge [sflag:s8], $0x3000  }
.Ltmp1:
0x1a: {  	[sflag:s8] =	ssyncset.done $0x0;
	(pc) =	sbr.rel @p0 .LBB2_1-.Ltmp1, $4  }
0x1b: {  	[sflag:s8] =	ssyncadd.s32 $0xFFFFD000  }
0x1c: {  	[hbm4b:s9+s3] =	stream.linear.scatter [tilespmem:s7], [sflag:$0x2], $0x3000, $0x38;
	[tilespmem:$0x3080] =	vst v63  }
0x1d: {  	_ =	swait.ge [sflag:s4], $0x3000  }
0x1e: {  	[sflag:s4] =	ssyncset.done $0x0  }
.LBB2_2:
0x1f: {  	[sflag:s4] =	ssyncadd.s32 $0xFFFFD000  }
0x20: {  	_ =	sfence.sel $0x180000  }
0x21: {  	[bflag:$0x0] =	sbarrier.arrive $0xFFFF  }
0x22: {  	p0 =	sne.s32 s0, $0x0;
	_ =	strace $0x90000047  }
0x23: {  	s0 =	sadd.s32 @!p0 $0x100000, s2;
	[bflag:$0x2] =	sbarrier.arrive $0xFFFF  }
0x24: {  	[sflag:s0] =	ssyncadd.tile.s32 @!p0 $0x1;
	_ =	shalt  }
.Lfunc_end2:
_tile_overlayer_lowered:
.L_overlay_start_2:
0x25: {  	(tag) =	ssettag $0x2  }
0x26: {  	s0 =	rddreg [dreg:$0x0];
	s2 =	stileid.u32  }
0x27: {  	s1 =	rddreg [dreg:$0x1];
	p0 =	sne.s32 s2, $0x0  }
0x28: {  	s3 =	rddreg [dreg:$0x2];
	[bflag:$0x3] =	sbarrier.arrive $0xFFFF;
	s2 =	simm.s32 @!p0 $0x1C02  }
0x29: {  	[timem:s3], [sflag:s2] =	dma.local @!p0 [hbm:s0], s1  }
0x2a: {  	s0 =	simm.s32 @!p0 $0x2  }
0x2b: {  	_ =	swait.ge @!p0 [sflag:s0], s1  }
0x2c: {  	s1 =	ssub.s32 @!p0 $0x0, s1;
	[sflag:s0] =	ssyncset.done @!p0 $0x0  }
0x2d: {  	[sflag:s0] =	ssyncadd.s32 @!p0 s1  }
0x2e: {  	[bflag:$0x3] =	sbarrier.arrive $0xFFFF  }
0x2f: {  	_ =	shalt  }

</sc_bundles>
